<compile_context>
chip_gen: v7x
topology: tpu7x:2x2x1
jax: 0.10.2.dev20260603
libtpu: 0.0.44.dev20260713+nightly
codegen_flags: <defaults>
</compile_context>

<pallas_src>
import functools

import jax
import jax.numpy as jnp
from jax import lax
from jax.experimental import pallas as pl
from jax.experimental.pallas import tpu as pltpu
from jax.experimental.pallas import tpu_sc as plsc

MAXDEG = 64
N = 10000
E = 320000
D = 128
NC, NS = 2, 16
HPAD = 10240
SLICE = HPAD // NS
CH = 19968
TAIL = E - CH * NS
BLK = 5000
NBLK = N // BLK
HROW = 5120
SUB = HROW * NBLK // NS
UNR = 8


def _hist_body(edges, hist_out, idx_v, tail_v, ones_v, zeros_v, buf_v,
               hist_sh):
    c = lax.axis_index("c")
    s = lax.axis_index("s")

    one16 = jnp.ones((16,), jnp.int32)
    zero16 = jnp.zeros((16,), jnp.int32)

    def obody(i, carry):
        for u in range(UNR):
            ones_v[pl.ds(i * (16 * UNR) + u * 16, 16)] = one16
        return carry

    lax.fori_loop(0, CH // (16 * UNR), obody, 0)

    def zbody(i, carry):
        zeros_v[pl.ds(i * 16, 16)] = zero16
        return carry

    lax.fori_loop(0, SLICE // 16, zbody, 0)
    pltpu.sync_copy(zeros_v, hist_sh.at[pl.ds(s * SLICE, SLICE)])
    pltpu.sync_copy(edges.at[c, pl.ds(s * CH, CH)], idx_v)

    @pl.when(s == 0)
    def _():
        pltpu.sync_copy(edges.at[c, pl.ds(CH * NS, TAIL)], tail_v)

    plsc.subcore_barrier()
    pltpu.sync_copy(ones_v, hist_sh.at[idx_v], add=True)

    @pl.when(s == 0)
    def _():
        pltpu.sync_copy(ones_v.at[pl.ds(0, TAIL)], hist_sh.at[tail_v],
                        add=True)

    plsc.subcore_barrier()

    b = s // (NS // NBLK)
    j = s - b * (NS // NBLK)
    pltpu.sync_copy(hist_sh.at[pl.ds(b * BLK + j * SUB, SUB)], buf_v)
    pltpu.sync_copy(buf_v, hist_out.at[c, b, 0, pl.ds(j * SUB, SUB)])


_hist_call = pl.kernel(
    _hist_body,
    out_type=jax.ShapeDtypeStruct((NC, NBLK, 1, HROW), jnp.int32),
    mesh=plsc.VectorSubcoreMesh(core_axis_name="c", subcore_axis_name="s",
                                num_cores=NC, num_subcores=NS),
    scratch_types=[
        pltpu.VMEM((CH,), jnp.int32),
        pltpu.VMEM((TAIL,), jnp.int32),
        pltpu.VMEM((CH,), jnp.int32),
        pltpu.VMEM((SLICE,), jnp.int32),
        pltpu.VMEM((SUB,), jnp.int32),
        pltpu.VMEM_SHARED((HPAD,), jnp.int32),
    ],
)


def _encode_body(x_ref, h_ref, ztab_ref, o_ref):
    dout = jnp.minimum(h_ref[0, 0][:, :BLK], MAXDEG - 1)
    din = jnp.minimum(h_ref[1, 0][:, :BLK], MAXDEG - 1)
    iota = lax.broadcasted_iota(jnp.int32, (2 * MAXDEG, BLK), 0)
    sel = (iota == jnp.broadcast_to(dout, (2 * MAXDEG, BLK))) | (
        iota == jnp.broadcast_to(din + MAXDEG, (2 * MAXDEG, BLK)))
    oh = sel.astype(jnp.float32)
    dn = (((0,), (0,)), ((), ()))
    o_ref[...] = x_ref[...] + lax.dot_general(
        oh, ztab_ref[...], dn, preferred_element_type=jnp.float32)


_encode_call = pl.pallas_call(
    _encode_body,
    out_shape=jax.ShapeDtypeStruct((N, D), jnp.float32),
    grid=(NBLK,),
    in_specs=[
        pl.BlockSpec((BLK, D), lambda i: (i, 0)),
        pl.BlockSpec((NC, 1, 1, HROW), lambda i: (0, i, 0, 0)),
        pl.BlockSpec((2 * MAXDEG, D), lambda i: (0, 0)),
    ],
    out_specs=pl.BlockSpec((BLK, D), lambda i: (i, 0)),
    compiler_params=pltpu.CompilerParams(
        dimension_semantics=("parallel",)),
)


def kernel(x, edge_index, z_in, z_out):
    e = edge_index.astype(jnp.int32)
    hist = _hist_call(e)
    ztab = jnp.concatenate([z_out, z_in], axis=0)
    return _encode_call(x, hist, ztab)

# --- scband reference (transcript-rebuilt; emitter-appended) ---
"""Pipeline reference for scband-centrality-encoding-88287347737115 (READ-ONLY COPY).

The authoritative reference and input builder live on the scoring server;
editing this copy changes nothing except your own understanding.
"""

import jax, jax.numpy as jnp
import numpy as np

MAX_IN_DEGREE = 64
MAX_OUT_DEGREE = 64
NODE_DIM = 128
N_NODES = 10000
N_EDGES = 320000


def setup_inputs(seed: int = 0) -> dict:
    key = jax.random.key(seed)
    k1, k2, k3, k4 = jax.random.split(key, 4)
    x = jax.random.normal(k1, (N_NODES, NODE_DIM), dtype=jnp.float32)
    edge_index = jax.random.randint(k2, (2, N_EDGES), 0, N_NODES, dtype=jnp.int64)
    z_in = jax.random.normal(k3, (MAX_IN_DEGREE, NODE_DIM), dtype=jnp.float32)
    z_out = jax.random.normal(k4, (MAX_OUT_DEGREE, NODE_DIM), dtype=jnp.float32)
    return {"x": x, "edge_index": edge_index, "z_in": z_in, "z_out": z_out}


def reference(x, edge_index, z_in, z_out):
    n = x.shape[0]
    # g.in_degrees(): count of incoming edges per node (dst = edge_index[1])
    in_degree = jnp.bincount(edge_index[1], length=n).astype(jnp.int64)
    # g.out_degrees(): count of outgoing edges per node (src = edge_index[0])
    out_degree = jnp.bincount(edge_index[0], length=n).astype(jnp.int64)
    # decrease_to_max_value: clamp degrees to max_degree - 1
    in_degree = jnp.minimum(in_degree, MAX_IN_DEGREE - 1)
    out_degree = jnp.minimum(out_degree, MAX_OUT_DEGREE - 1)
    # x += z_in[in_degree] + z_out[out_degree]
    out = x + jnp.take(z_in, in_degree, axis=0) + jnp.take(z_out, out_degree, axis=0)
    return out

if __name__ == "__main__":
    import jax
    _d = setup_inputs()
    print(jax.jit(kernel)(*tuple(_d.values())))

</pallas_src>

<mosaic_0001>
#map = affine_map<(d0, d1) -> (0, 0)>
#map1 = affine_map<(d0, d1) -> (0, 0, 0, 0)>
module attributes {stable_mosaic.version = 14 : i64} {
  func.func @_hist_body(%arg0: i32, %arg1: i32, %arg2: memref<2x320000xi32, #tpu.memory_space<hbm>>, %arg3: memref<2x2x1x5120xi32, #tpu.memory_space<hbm>>, %arg4: memref<19968xi32, #tpu.memory_space<vmem>>, %arg5: memref<512xi32, #tpu.memory_space<vmem>>, %arg6: memref<19968xi32, #tpu.memory_space<vmem>>, %arg7: memref<640xi32, #tpu.memory_space<vmem>>, %arg8: memref<640xi32, #tpu.memory_space<vmem>>, %arg9: memref<10240xi32, #tpu.memory_space<vmem_shared>>) attributes {dimension_semantics = [#tpu.dimension_semantics<core_parallel>, #tpu.dimension_semantics<subcore_parallel>], iteration_bounds = array<i64: 2, 16>, scalar_prefetch = 0 : i64, scratch_operands = 6 : i64, tpu.core_type = #tpu.core_type<sc_vector_subcore>, window_params = [{transform_indices = #map}, {transform_indices = #map1}]} {
    %broadcast_in_dim3A = arith.constant 1 : i32
    %broadcast_in_dim3A_0 = vector.broadcast %broadcast_in_dim3A : i32 to vector<16xi32>
    %broadcast_in_dim3A_1 = arith.constant 0 : i32
    %broadcast_in_dim3A_2 = vector.broadcast %broadcast_in_dim3A_1 : i32 to vector<16xi32>
    %scan3A = arith.constant 0 : i32
    %scan3A_3 = arith.constant 0 : i32
    %scan3A_4 = arith.constant 156 : i32
    %scan3A_5 = arith.addi %scan3A_3, %scan3A_4 : i32
    %scan3A_6 = arith.constant 1 : i32
    scf.for %scan3A_50 = %scan3A_3 to %scan3A_5 step %scan3A_6  : i32 {
      %mul3A_51 = arith.constant 128 : i32
      %mul3A_52 = arith.muli %scan3A_50, %mul3A_51 : i32
      %add3A_53 = arith.constant 0 : i32
      %add3A_54 = arith.addi %mul3A_52, %add3A_53 : i32
      %swap3A = arith.index_cast %add3A_54 : i32 to index
      %swap3A_55 = tpu.vector_load %arg6[%swap3A] {strides = array<i32>} : memref<19968xi32, #tpu.memory_space<vmem>>, vector<16xi32>,
      %swap3A_56 = vector.shape_cast %swap3A_55 : vector<16xi32> to vector<16xi32>
      %swap3A_57 = vector.shape_cast %broadcast_in_dim3A_0 : vector<16xi32> to vector<16xi32>
      tpu.vector_store %arg6[%swap3A], %swap3A_57 {strides = array<i32>} : memref<19968xi32, #tpu.memory_space<vmem>>, vector<16xi32>,
      %mul3A_58 = arith.constant 128 : i32
      %mul3A_59 = arith.muli %scan3A_50, %mul3A_58 : i32
      %add3A_60 = arith.constant 16 : i32
      %add3A_61 = arith.addi %mul3A_59, %add3A_60 : i32
      %swap3A_62 = arith.index_cast %add3A_61 : i32 to index
      %swap3A_63 = tpu.vector_load %arg6[%swap3A_62] {strides = array<i32>} : memref<19968xi32, #tpu.memory_space<vmem>>, vector<16xi32>,
      %swap3A_64 = vector.shape_cast %swap3A_63 : vector<16xi32> to vector<16xi32>
      %swap3A_65 = vector.shape_cast %broadcast_in_dim3A_0 : vector<16xi32> to vector<16xi32>
      tpu.vector_store %arg6[%swap3A_62], %swap3A_65 {strides = array<i32>} : memref<19968xi32, #tpu.memory_space<vmem>>, vector<16xi32>,
      %mul3A_66 = arith.constant 128 : i32
      %mul3A_67 = arith.muli %scan3A_50, %mul3A_66 : i32
      %add3A_68 = arith.constant 32 : i32
      %add3A_69 = arith.addi %mul3A_67, %add3A_68 : i32
      %swap3A_70 = arith.index_cast %add3A_69 : i32 to index
      %swap3A_71 = tpu.vector_load %arg6[%swap3A_70] {strides = array<i32>} : memref<19968xi32, #tpu.memory_space<vmem>>, vector<16xi32>,
      %swap3A_72 = vector.shape_cast %swap3A_71 : vector<16xi32> to vector<16xi32>
      %swap3A_73 = vector.shape_cast %broadcast_in_dim3A_0 : vector<16xi32> to vector<16xi32>
      tpu.vector_store %arg6[%swap3A_70], %swap3A_73 {strides = array<i32>} : memref<19968xi32, #tpu.memory_space<vmem>>, vector<16xi32>,
      %mul3A_74 = arith.constant 128 : i32
      %mul3A_75 = arith.muli %scan3A_50, %mul3A_74 : i32
      %add3A_76 = arith.constant 48 : i32
      %add3A_77 = arith.addi %mul3A_75, %add3A_76 : i32
      %swap3A_78 = arith.index_cast %add3A_77 : i32 to index
      %swap3A_79 = tpu.vector_load %arg6[%swap3A_78] {strides = array<i32>} : memref<19968xi32, #tpu.memory_space<vmem>>, vector<16xi32>,
      %swap3A_80 = vector.shape_cast %swap3A_79 : vector<16xi32> to vector<16xi32>
      %swap3A_81 = vector.shape_cast %broadcast_in_dim3A_0 : vector<16xi32> to vector<16xi32>
      tpu.vector_store %arg6[%swap3A_78], %swap3A_81 {strides = array<i32>} : memref<19968xi32, #tpu.memory_space<vmem>>, vector<16xi32>,
      %mul3A_82 = arith.constant 128 : i32
      %mul3A_83 = arith.muli %scan3A_50, %mul3A_82 : i32
      %add3A_84 = arith.constant 64 : i32
      %add3A_85 = arith.addi %mul3A_83, %add3A_84 : i32
      %swap3A_86 = arith.index_cast %add3A_85 : i32 to index
      %swap3A_87 = tpu.vector_load %arg6[%swap3A_86] {strides = array<i32>} : memref<19968xi32, #tpu.memory_space<vmem>>, vector<16xi32>,
      %swap3A_88 = vector.shape_cast %swap3A_87 : vector<16xi32> to vector<16xi32>
      %swap3A_89 = vector.shape_cast %broadcast_in_dim3A_0 : vector<16xi32> to vector<16xi32>
      tpu.vector_store %arg6[%swap3A_86], %swap3A_89 {strides = array<i32>} : memref<19968xi32, #tpu.memory_space<vmem>>, vector<16xi32>,
      %mul3A_90 = arith.constant 128 : i32
      %mul3A_91 = arith.muli %scan3A_50, %mul3A_90 : i32
      %add3A_92 = arith.constant 80 : i32
      %add3A_93 = arith.addi %mul3A_91, %add3A_92 : i32
      %swap3A_94 = arith.index_cast %add3A_93 : i32 to index
      %swap3A_95 = tpu.vector_load %arg6[%swap3A_94] {strides = array<i32>} : memref<19968xi32, #tpu.memory_space<vmem>>, vector<16xi32>,
      %swap3A_96 = vector.shape_cast %swap3A_95 : vector<16xi32> to vector<16xi32>
      %swap3A_97 = vector.shape_cast %broadcast_in_dim3A_0 : vector<16xi32> to vector<16xi32>
      tpu.vector_store %arg6[%swap3A_94], %swap3A_97 {strides = array<i32>} : memref<19968xi32, #tpu.memory_space<vmem>>, vector<16xi32>,
      %mul3A_98 = arith.constant 128 : i32
      %mul3A_99 = arith.muli %scan3A_50, %mul3A_98 : i32
      %add3A_100 = arith.constant 96 : i32
      %add3A_101 = arith.addi %mul3A_99, %add3A_100 : i32
      %swap3A_102 = arith.index_cast %add3A_101 : i32 to index
      %swap3A_103 = tpu.vector_load %arg6[%swap3A_102] {strides = array<i32>} : memref<19968xi32, #tpu.memory_space<vmem>>, vector<16xi32>,
      %swap3A_104 = vector.shape_cast %swap3A_103 : vector<16xi32> to vector<16xi32>
      %swap3A_105 = vector.shape_cast %broadcast_in_dim3A_0 : vector<16xi32> to vector<16xi32>
      tpu.vector_store %arg6[%swap3A_102], %swap3A_105 {strides = array<i32>} : memref<19968xi32, #tpu.memory_space<vmem>>, vector<16xi32>,
      %mul3A_106 = arith.constant 128 : i32
      %mul3A_107 = arith.muli %scan3A_50, %mul3A_106 : i32
      %add3A_108 = arith.constant 112 : i32
      %add3A_109 = arith.addi %mul3A_107, %add3A_108 : i32
      %swap3A_110 = arith.index_cast %add3A_109 : i32 to index
      %swap3A_111 = tpu.vector_load %arg6[%swap3A_110] {strides = array<i32>} : memref<19968xi32, #tpu.memory_space<vmem>>, vector<16xi32>,
      %swap3A_112 = vector.shape_cast %swap3A_111 : vector<16xi32> to vector<16xi32>
      %swap3A_113 = vector.shape_cast %broadcast_in_dim3A_0 : vector<16xi32> to vector<16xi32>
      tpu.vector_store %arg6[%swap3A_110], %swap3A_113 {strides = array<i32>} : memref<19968xi32, #tpu.memory_space<vmem>>, vector<16xi32>,
    }
    %scan3A_7 = arith.constant 156 : i32
    %scan3A_8 = arith.constant 0 : i32
    %scan3A_9 = arith.constant 0 : i32
    %scan3A_10 = arith.constant 40 : i32
    %scan3A_11 = arith.addi %scan3A_9, %scan3A_10 : i32
    %scan3A_12 = arith.constant 1 : i32
    scf.for %scan3A_50 = %scan3A_9 to %scan3A_11 step %scan3A_12  : i32 {
      %mul3A_51 = arith.constant 16 : i32
      %mul3A_52 = arith.muli %scan3A_50, %mul3A_51 : i32
      %swap3A = arith.index_cast %mul3A_52 : i32 to index
      %swap3A_53 = tpu.vector_load %arg7[%swap3A] {strides = array<i32>} : memref<640xi32, #tpu.memory_space<vmem>>, vector<16xi32>,
      %swap3A_54 = vector.shape_cast %swap3A_53 : vector<16xi32> to vector<16xi32>
      %swap3A_55 = vector.shape_cast %broadcast_in_dim3A_2 : vector<16xi32> to vector<16xi32>
      tpu.vector_store %arg7[%swap3A], %swap3A_55 {strides = array<i32>} : memref<640xi32, #tpu.memory_space<vmem>>, vector<16xi32>,
    }
    %scan3A_13 = arith.constant 40 : i32
    %mul3A = arith.constant 640 : i32
    %mul3A_14 = arith.muli %arg1, %mul3A : i32
    "tpu.region"() ({
      %run_scoped3A_50 = tpu.sem_alloc : memref<!tpu.dma_semaphore, #tpu.memory_space<semaphore_mem>>
      %dma_start3A = tpu.memref_slice %arg9[%mul3A_14] : memref<10240xi32, #tpu.memory_space<vmem_shared>> -> memref<640xi32, #tpu.memory_space<vmem_shared>>
      %dma_start3A_51 = tpu.memref_slice %arg9[%mul3A_14] : memref<10240xi32, #tpu.memory_space<vmem_shared>> -> memref<640xi32, #tpu.memory_space<vmem_shared>>
      tpu.enqueue_dma source(%arg7 : memref<640xi32, #tpu.memory_space<vmem>>) target(%dma_start3A_51 : memref<640xi32, #tpu.memory_space<vmem_shared>>) target_semaphore(%run_scoped3A_50 : memref<!tpu.dma_semaphore, #tpu.memory_space<semaphore_mem>>)
      %dma_wait3A = tpu.memref_slice %arg9[%mul3A_14] : memref<10240xi32, #tpu.memory_space<vmem_shared>> -> memref<640xi32, #tpu.memory_space<vmem_shared>>
      %dma_wait3A_52 = tpu.memref_slice %arg9[%mul3A_14] : memref<10240xi32, #tpu.memory_space<vmem_shared>> -> memref<640xi32, #tpu.memory_space<vmem_shared>>
      tpu.wait_dma2 semaphore(%run_scoped3A_50 : memref<!tpu.dma_semaphore, #tpu.memory_space<semaphore_mem>>) src(%arg7 : memref<640xi32, #tpu.memory_space<vmem>>) dst(%dma_wait3A_52 : memref<640xi32, #tpu.memory_space<vmem_shared>>)
      tpu.yield
    }) : () -> ()
    %mul3A_15 = arith.constant 19968 : i32
    %mul3A_16 = arith.muli %arg1, %mul3A_15 : i32
    "tpu.region"() ({
      %run_scoped3A_50 = tpu.sem_alloc : memref<!tpu.dma_semaphore, #tpu.memory_space<semaphore_mem>>
      %dma_start3A = tpu.memref_slice %arg2[%arg0, %mul3A_16] : memref<2x320000xi32, #tpu.memory_space<hbm>> -> memref<1x19968xi32, #tpu.memory_space<hbm>>
      %dma_start3A_51 = tpu.memref_squeeze %dma_start3A : memref<1x19968xi32, #tpu.memory_space<hbm>> -> memref<19968xi32, #tpu.memory_space<hbm>>
      %dma_start3A_52 = tpu.memref_slice %arg2[%arg0, %mul3A_16] : memref<2x320000xi32, #tpu.memory_space<hbm>> -> memref<1x19968xi32, #tpu.memory_space<hbm>>
      %dma_start3A_53 = tpu.memref_squeeze %dma_start3A_52 : memref<1x19968xi32, #tpu.memory_space<hbm>> -> memref<19968xi32, #tpu.memory_space<hbm>>
      tpu.enqueue_dma source(%dma_start3A_53 : memref<19968xi32, #tpu.memory_space<hbm>>) target(%arg4 : memref<19968xi32, #tpu.memory_space<vmem>>) target_semaphore(%run_scoped3A_50 : memref<!tpu.dma_semaphore, #tpu.memory_space<semaphore_mem>>)
      %dma_wait3A = tpu.memref_slice %arg2[%arg0, %mul3A_16] : memref<2x320000xi32, #tpu.memory_space<hbm>> -> memref<1x19968xi32, #tpu.memory_space<hbm>>
      %dma_wait3A_54 = tpu.memref_squeeze %dma_wait3A : memref<1x19968xi32, #tpu.memory_space<hbm>> -> memref<19968xi32, #tpu.memory_space<hbm>>
      %dma_wait3A_55 = tpu.memref_slice %arg2[%arg0, %mul3A_16] : memref<2x320000xi32, #tpu.memory_space<hbm>> -> memref<1x19968xi32, #tpu.memory_space<hbm>>
      %dma_wait3A_56 = tpu.memref_squeeze %dma_wait3A_55 : memref<1x19968xi32, #tpu.memory_space<hbm>> -> memref<19968xi32, #tpu.memory_space<hbm>>
      tpu.wait_dma2 semaphore(%run_scoped3A_50 : memref<!tpu.dma_semaphore, #tpu.memory_space<semaphore_mem>>) src(%dma_wait3A_56 : memref<19968xi32, #tpu.memory_space<hbm>>) dst(%arg4 : memref<19968xi32, #tpu.memory_space<vmem>>)
      tpu.yield
    }) : () -> ()
    %eq3A = arith.constant 0 : i32
    %eq3A_17 = arith.cmpi eq, %arg1, %eq3A : i32
    %convert_element_type3A = arith.extui %eq3A_17 : i1 to i32
    %cond3A = arith.constant 0 : i32
    %cond3A_18 = arith.cmpi ne, %convert_element_type3A, %cond3A : i32
    scf.if %cond3A_18 {
      "tpu.region"() ({
        %run_scoped3A_50 = tpu.sem_alloc : memref<!tpu.dma_semaphore, #tpu.memory_space<semaphore_mem>>
        %dma_start3A = arith.constant 319488 : i32
        %dma_start3A_51 = tpu.memref_slice %arg2[%arg0, %dma_start3A] : memref<2x320000xi32, #tpu.memory_space<hbm>> -> memref<1x512xi32, #tpu.memory_space<hbm>>
        %dma_start3A_52 = tpu.memref_squeeze %dma_start3A_51 : memref<1x512xi32, #tpu.memory_space<hbm>> -> memref<512xi32, #tpu.memory_space<hbm>>
        %dma_start3A_53 = arith.constant 319488 : i32
        %dma_start3A_54 = tpu.memref_slice %arg2[%arg0, %dma_start3A_53] : memref<2x320000xi32, #tpu.memory_space<hbm>> -> memref<1x512xi32, #tpu.memory_space<hbm>>
        %dma_start3A_55 = tpu.memref_squeeze %dma_start3A_54 : memref<1x512xi32, #tpu.memory_space<hbm>> -> memref<512xi32, #tpu.memory_space<hbm>>
        tpu.enqueue_dma source(%dma_start3A_55 : memref<512xi32, #tpu.memory_space<hbm>>) target(%arg5 : memref<512xi32, #tpu.memory_space<vmem>>) target_semaphore(%run_scoped3A_50 : memref<!tpu.dma_semaphore, #tpu.memory_space<semaphore_mem>>)
        %dma_wait3A = arith.constant 319488 : i32
        %dma_wait3A_56 = tpu.memref_slice %arg2[%arg0, %dma_wait3A] : memref<2x320000xi32, #tpu.memory_space<hbm>> -> memref<1x512xi32, #tpu.memory_space<hbm>>
        %dma_wait3A_57 = tpu.memref_squeeze %dma_wait3A_56 : memref<1x512xi32, #tpu.memory_space<hbm>> -> memref<512xi32, #tpu.memory_space<hbm>>
        %dma_wait3A_58 = arith.constant 319488 : i32
        %dma_wait3A_59 = tpu.memref_slice %arg2[%arg0, %dma_wait3A_58] : memref<2x320000xi32, #tpu.memory_space<hbm>> -> memref<1x512xi32, #tpu.memory_space<hbm>>
        %dma_wait3A_60 = tpu.memref_squeeze %dma_wait3A_59 : memref<1x512xi32, #tpu.memory_space<hbm>> -> memref<512xi32, #tpu.memory_space<hbm>>
        tpu.wait_dma2 semaphore(%run_scoped3A_50 : memref<!tpu.dma_semaphore, #tpu.memory_space<semaphore_mem>>) src(%dma_wait3A_60 : memref<512xi32, #tpu.memory_space<hbm>>) dst(%arg5 : memref<512xi32, #tpu.memory_space<vmem>>)
        tpu.yield
      }) : () -> ()
    } else {
    }
    %barrier3A = arith.constant 0 : index
    tpu.barrier barrier_id(%barrier3A)
    "tpu.region"() ({
      %run_scoped3A_50 = tpu.sem_alloc : memref<!tpu.dma_semaphore, #tpu.memory_space<semaphore_mem>>
      %dma_start3A = arith.constant 0 : i32
      %dma_start3A_51 = tpu.memref_slice %arg9[%dma_start3A] : memref<10240xi32, #tpu.memory_space<vmem_shared>> -> memref<10240xi32, #tpu.memory_space<vmem_shared>>
      tpu.enqueue_indirect_dma source(%arg6 : memref<19968xi32, #tpu.memory_space<vmem>>) target(%dma_start3A_51 : memref<10240xi32, #tpu.memory_space<vmem_shared>>) offsets(%arg4 : memref<19968xi32, #tpu.memory_space<vmem>>) semaphore(%run_scoped3A_50 : memref<!tpu.dma_semaphore, #tpu.memory_space<semaphore_mem>>) {add = true}
      %dma_wait3A = arith.constant 0 : i32
      %dma_wait3A_52 = tpu.memref_slice %arg9[%dma_wait3A] : memref<10240xi32, #tpu.memory_space<vmem_shared>> -> memref<10240xi32, #tpu.memory_space<vmem_shared>>
      tpu.wait_indirect_dma semaphore(%run_scoped3A_50 : memref<!tpu.dma_semaphore, #tpu.memory_space<semaphore_mem>>) src(%arg6 : memref<19968xi32, #tpu.memory_space<vmem>>) dst(%dma_wait3A_52 : memref<10240xi32, #tpu.memory_space<vmem_shared>>)
      tpu.yield
    }) : () -> ()
    %eq3A_19 = arith.constant 0 : i32
    %eq3A_20 = arith.cmpi eq, %arg1, %eq3A_19 : i32
    %convert_element_type3A_21 = arith.extui %eq3A_20 : i1 to i32
    %cond3A_22 = arith.constant 0 : i32
    %cond3A_23 = arith.cmpi ne, %convert_element_type3A_21, %cond3A_22 : i32
    scf.if %cond3A_23 {
      "tpu.region"() ({
        %run_scoped3A_50 = tpu.sem_alloc : memref<!tpu.dma_semaphore, #tpu.memory_space<semaphore_mem>>
        %dma_start3A = arith.constant 0 : i32
        %dma_start3A_51 = tpu.memref_slice %arg6[%dma_start3A] : memref<19968xi32, #tpu.memory_space<vmem>> -> memref<512xi32, #tpu.memory_space<vmem>>
        %dma_start3A_52 = arith.constant 0 : i32
        %dma_start3A_53 = tpu.memref_slice %arg9[%dma_start3A_52] : memref<10240xi32, #tpu.memory_space<vmem_shared>> -> memref<10240xi32, #tpu.memory_space<vmem_shared>>
        tpu.enqueue_indirect_dma source(%dma_start3A_51 : memref<512xi32, #tpu.memory_space<vmem>>) target(%dma_start3A_53 : memref<10240xi32, #tpu.memory_space<vmem_shared>>) offsets(%arg5 : memref<512xi32, #tpu.memory_space<vmem>>) semaphore(%run_scoped3A_50 : memref<!tpu.dma_semaphore, #tpu.memory_space<semaphore_mem>>) {add = true}
        %dma_wait3A = arith.constant 0 : i32
        %dma_wait3A_54 = tpu.memref_slice %arg6[%dma_wait3A] : memref<19968xi32, #tpu.memory_space<vmem>> -> memref<512xi32, #tpu.memory_space<vmem>>
        %dma_wait3A_55 = arith.constant 0 : i32
        %dma_wait3A_56 = tpu.memref_slice %arg9[%dma_wait3A_55] : memref<10240xi32, #tpu.memory_space<vmem_shared>> -> memref<10240xi32, #tpu.memory_space<vmem_shared>>
        tpu.wait_indirect_dma semaphore(%run_scoped3A_50 : memref<!tpu.dma_semaphore, #tpu.memory_space<semaphore_mem>>) src(%dma_wait3A_54 : memref<512xi32, #tpu.memory_space<vmem>>) dst(%dma_wait3A_56 : memref<10240xi32, #tpu.memory_space<vmem_shared>>)
        tpu.yield
      }) : () -> ()
    } else {
    }
    %barrier3A_24 = arith.constant 0 : index
    tpu.barrier barrier_id(%barrier3A_24)
    %jit3A = arith.constant 8 : i32
    %div3A = arith.divsi %arg1, %jit3A : i32
    %sign3A = arith.constant 0 : i32
    %sign3A_25 = arith.cmpi sgt, %arg1, %sign3A : i32
    %sign3A_26 = arith.extui %sign3A_25 : i1 to i32
    %sign3A_27 = arith.constant 0 : i32
    %sign3A_28 = arith.cmpi slt, %arg1, %sign3A_27 : i32
    %sign3A_29 = arith.extui %sign3A_28 : i1 to i32
    %sign3A_30 = arith.subi %sign3A_26, %sign3A_29 : i32
    %sign3A_31 = arith.constant 0 : i32
    %sign3A_32 = arith.cmpi sgt, %jit3A, %sign3A_31 : i32
    %sign3A_33 = arith.extui %sign3A_32 : i1 to i32
    %sign3A_34 = arith.constant 0 : i32
    %sign3A_35 = arith.cmpi slt, %jit3A, %sign3A_34 : i32
    %sign3A_36 = arith.extui %sign3A_35 : i1 to i32
    %sign3A_37 = arith.subi %sign3A_33, %sign3A_36 : i32
    %ne3A = arith.cmpi ne, %sign3A_30, %sign3A_37 : i32
    %rem3A = arith.remsi %arg1, %jit3A : i32
    %ne3A_38 = arith.constant 0 : i32
    %ne3A_39 = arith.cmpi ne, %rem3A, %ne3A_38 : i32
    %and3A = arith.andi %ne3A, %ne3A_39 : i1
    %sub3A = arith.constant 1 : i32
    %sub3A_40 = arith.subi %div3A, %sub3A : i32
    %select_n3A = arith.select %and3A, %sub3A_40, %div3A : i32
    %mul3A_41 = arith.constant 8 : i32
    %mul3A_42 = arith.muli %select_n3A, %mul3A_41 : i32
    %sub3A_43 = arith.subi %arg1, %mul3A_42 : i32
    %mul3A_44 = arith.constant 5000 : i32
    %mul3A_45 = arith.muli %select_n3A, %mul3A_44 : i32
    %mul3A_46 = arith.constant 640 : i32
    %mul3A_47 = arith.muli %sub3A_43, %mul3A_46 : i32
    %add3A = arith.addi %mul3A_45, %mul3A_47 : i32
    "tpu.region"() ({
      %run_scoped3A_50 = tpu.sem_alloc : memref<!tpu.dma_semaphore, #tpu.memory_space<semaphore_mem>>
      %dma_start3A = tpu.memref_slice %arg9[%add3A] : memref<10240xi32, #tpu.memory_space<vmem_shared>> -> memref<640xi32, #tpu.memory_space<vmem_shared>>
      %dma_start3A_51 = tpu.memref_slice %arg9[%add3A] : memref<10240xi32, #tpu.memory_space<vmem_shared>> -> memref<640xi32, #tpu.memory_space<vmem_shared>>
      tpu.enqueue_dma source(%dma_start3A_51 : memref<640xi32, #tpu.memory_space<vmem_shared>>) target(%arg8 : memref<640xi32, #tpu.memory_space<vmem>>) target_semaphore(%run_scoped3A_50 : memref<!tpu.dma_semaphore, #tpu.memory_space<semaphore_mem>>)
      %dma_wait3A = tpu.memref_slice %arg9[%add3A] : memref<10240xi32, #tpu.memory_space<vmem_shared>> -> memref<640xi32, #tpu.memory_space<vmem_shared>>
      %dma_wait3A_52 = tpu.memref_slice %arg9[%add3A] : memref<10240xi32, #tpu.memory_space<vmem_shared>> -> memref<640xi32, #tpu.memory_space<vmem_shared>>
      tpu.wait_dma2 semaphore(%run_scoped3A_50 : memref<!tpu.dma_semaphore, #tpu.memory_space<semaphore_mem>>) src(%dma_wait3A_52 : memref<640xi32, #tpu.memory_space<vmem_shared>>) dst(%arg8 : memref<640xi32, #tpu.memory_space<vmem>>)
      tpu.yield
    }) : () -> ()
    %mul3A_48 = arith.constant 640 : i32
    %mul3A_49 = arith.muli %sub3A_43, %mul3A_48 : i32
    %run_scoped3A = arith.constant 0 : i32
    "tpu.region"() ({
      %run_scoped3A_50 = tpu.sem_alloc : memref<!tpu.dma_semaphore, #tpu.memory_space<semaphore_mem>>
      %dma_start3A = tpu.memref_slice %arg3[%arg0, %select_n3A, %run_scoped3A, %mul3A_49] : memref<2x2x1x5120xi32, #tpu.memory_space<hbm>> -> memref<1x1x1x640xi32, #tpu.memory_space<hbm>>
      %dma_start3A_51 = tpu.memref_squeeze %dma_start3A : memref<1x1x1x640xi32, #tpu.memory_space<hbm>> -> memref<640xi32, #tpu.memory_space<hbm>>
      %dma_start3A_52 = tpu.memref_slice %arg3[%arg0, %select_n3A, %run_scoped3A, %mul3A_49] : memref<2x2x1x5120xi32, #tpu.memory_space<hbm>> -> memref<1x1x1x640xi32, #tpu.memory_space<hbm>>
      %dma_start3A_53 = tpu.memref_squeeze %dma_start3A_52 : memref<1x1x1x640xi32, #tpu.memory_space<hbm>> -> memref<640xi32, #tpu.memory_space<hbm>>
      tpu.enqueue_dma source(%arg8 : memref<640xi32, #tpu.memory_space<vmem>>) target(%dma_start3A_53 : memref<640xi32, #tpu.memory_space<hbm>>) target_semaphore(%run_scoped3A_50 : memref<!tpu.dma_semaphore, #tpu.memory_space<semaphore_mem>>)
      %dma_wait3A = tpu.memref_slice %arg3[%arg0, %select_n3A, %run_scoped3A, %mul3A_49] : memref<2x2x1x5120xi32, #tpu.memory_space<hbm>> -> memref<1x1x1x640xi32, #tpu.memory_space<hbm>>
      %dma_wait3A_54 = tpu.memref_squeeze %dma_wait3A : memref<1x1x1x640xi32, #tpu.memory_space<hbm>> -> memref<640xi32, #tpu.memory_space<hbm>>
      %dma_wait3A_55 = tpu.memref_slice %arg3[%arg0, %select_n3A, %run_scoped3A, %mul3A_49] : memref<2x2x1x5120xi32, #tpu.memory_space<hbm>> -> memref<1x1x1x640xi32, #tpu.memory_space<hbm>>
      %dma_wait3A_56 = tpu.memref_squeeze %dma_wait3A_55 : memref<1x1x1x640xi32, #tpu.memory_space<hbm>> -> memref<640xi32, #tpu.memory_space<hbm>>
      tpu.wait_dma2 semaphore(%run_scoped3A_50 : memref<!tpu.dma_semaphore, #tpu.memory_space<semaphore_mem>>) src(%arg8 : memref<640xi32, #tpu.memory_space<vmem>>) dst(%dma_wait3A_56 : memref<640xi32, #tpu.memory_space<hbm>>)
      tpu.yield
    }) : () -> ()
    return
  }
}

module attributes {stable_mosaic.version = 14 : i64} {
  func.func @_encode_body(%arg0: i32, %arg1: memref<5000x128xf32, #tpu.memory_space<vmem>>, %arg2: memref<2x1x1x5120xi32, #tpu.memory_space<vmem>>, %arg3: memref<128x128xf32, #tpu.memory_space<vmem>>, %arg4: memref<5000x128xf32, #tpu.memory_space<vmem>>) attributes {dimension_semantics = [#tpu.dimension_semantics<parallel>], iteration_bounds = array<i64: 2>, scalar_prefetch = 0 : i64, scratch_operands = 0 : i64, tpu.core_type = #tpu.core_type<tc>, window_params = [{transform_indices = @transform_0, window_bounds = array<i64: 5000, 128>}, {transform_indices = @transform_1, window_bounds = array<i64: 2, 1, 1, 5120>}, {pipeline_mode = #tpu.pipeline_mode<synchronous>, transform_indices = @transform_2, window_bounds = array<i64: 128, 128>}, {transform_indices = @transform_3, window_bounds = array<i64: 5000, 128>}]} {
    %get3A = arith.constant 0 : index
    %get3A_0 = arith.constant 0 : index
    %get3A_1 = arith.constant 0 : index
    %get3A_2 = arith.constant 0 : index
    %get3A_3 = vector.load %arg2[%get3A, %get3A_0, %get3A_1, %get3A_2] : memref<2x1x1x5120xi32, #tpu.memory_space<vmem>>, vector<1x1x1x5120xi32>
    %get3A_4 = vector.shape_cast %get3A_3 : vector<1x1x1x5120xi32> to vector<1x5120xi32>
    %slice3A = vector.extract_strided_slice %get3A_4 {offsets = [0, 0], sizes = [1, 5000], strides = [1, 1]} : vector<1x5120xi32> to vector<1x5000xi32>
    %min3A = arith.constant 63 : i32
    %min3A_5 = vector.broadcast %min3A : i32 to vector<1x5000xi32>
    %min3A_6 = arith.minsi %slice3A, %min3A_5 : vector<1x5000xi32>
    %get3A_7 = arith.constant 1 : index
    %get3A_8 = arith.constant 0 : index
    %get3A_9 = arith.constant 0 : index
    %get3A_10 = arith.constant 0 : index
    %get3A_11 = vector.load %arg2[%get3A_7, %get3A_8, %get3A_9, %get3A_10] : memref<2x1x1x5120xi32, #tpu.memory_space<vmem>>, vector<1x1x1x5120xi32>
    %get3A_12 = vector.shape_cast %get3A_11 : vector<1x1x1x5120xi32> to vector<1x5120xi32>
    %slice3A_13 = vector.extract_strided_slice %get3A_12 {offsets = [0, 0], sizes = [1, 5000], strides = [1, 1]} : vector<1x5120xi32> to vector<1x5000xi32>
    %min3A_14 = arith.constant 63 : i32
    %min3A_15 = vector.broadcast %min3A_14 : i32 to vector<1x5000xi32>
    %min3A_16 = arith.minsi %slice3A_13, %min3A_15 : vector<1x5000xi32>
    %iota3A = tpu.iota {dimensions = array<i32: 0>} : vector<128x5000xi32>
    %broadcast_in_dim3A = vector.shape_cast %min3A_6 : vector<1x5000xi32> to vector<1x5000xi32>
    %broadcast_in_dim3A_17 = vector.broadcast %broadcast_in_dim3A : vector<1x5000xi32> to vector<128x5000xi32>
    %eq3A = arith.cmpi eq, %iota3A, %broadcast_in_dim3A_17 : vector<128x5000xi32>
    %add3A = arith.constant 64 : i32
    %add3A_18 = vector.broadcast %add3A : i32 to vector<1x5000xi32>
    %add3A_19 = arith.addi %min3A_16, %add3A_18 : vector<1x5000xi32>
    %broadcast_in_dim3A_20 = vector.shape_cast %add3A_19 : vector<1x5000xi32> to vector<1x5000xi32>
    %broadcast_in_dim3A_21 = vector.broadcast %broadcast_in_dim3A_20 : vector<1x5000xi32> to vector<128x5000xi32>
    %eq3A_22 = arith.cmpi eq, %iota3A, %broadcast_in_dim3A_21 : vector<128x5000xi32>
    %or3A = arith.ori %eq3A, %eq3A_22 : vector<128x5000xi1>
    %convert_element_type3A = arith.extui %or3A : vector<128x5000xi1> to vector<128x5000xi32>
    %convert_element_type3A_23 = arith.sitofp %convert_element_type3A : vector<128x5000xi32> to vector<128x5000xf32>
    %get3A_24 = arith.constant 0 : index
    %get3A_25 = arith.constant 0 : index
    %get3A_26 = vector.load %arg1[%get3A_24, %get3A_25] : memref<5000x128xf32, #tpu.memory_space<vmem>>, vector<5000x128xf32>
    %get3A_27 = arith.constant 0 : index
    %get3A_28 = arith.constant 0 : index
    %get3A_29 = vector.load %arg3[%get3A_27, %get3A_28] : memref<128x128xf32, #tpu.memory_space<vmem>>, vector<128x128xf32>
    %dot_general3A = arith.constant dense<0.000000e+00> : vector<5000x128xf32>
    %dot_general3A_30 = tpu.matmul %convert_element_type3A_23, %get3A_29, %dot_general3A {dimension_numbers = #tpu.dot_dimension_numbers<[0], [0], [1], [1], [0, 1, 1, 1], [], []>, transpose_lhs_hint = false} : vector<128x5000xf32>, vector<128x128xf32>, vector<5000x128xf32> -> vector<5000x128xf32>
    %add3A_31 = arith.addf %get3A_26, %dot_general3A_30 : vector<5000x128xf32>
    %swap3A = arith.constant 0 : index
    %swap3A_32 = arith.constant 0 : index
    %swap3A_33 = vector.load %arg4[%swap3A, %swap3A_32] : memref<5000x128xf32, #tpu.memory_space<vmem>>, vector<5000x128xf32>
    tpu.vector_store %arg4[%swap3A, %swap3A_32], %add3A_31 {strides = array<i32>} : memref<5000x128xf32, #tpu.memory_space<vmem>>, vector<5000x128xf32>,
    return
  }
  func.func @transform_0(%arg0: i32) -> (i32, i32) {
    %c0_i32 = arith.constant 0 : i32
    %c0_i32_0 = arith.constant 0 : i32
    return %arg0, %c0_i32 : i32, i32
  }
  func.func @transform_1(%arg0: i32) -> (i32, i32, i32, i32) {
    %c0_i32 = arith.constant 0 : i32
    %c0_i32_0 = arith.constant 0 : i32
    %c0_i32_1 = arith.constant 0 : i32
    %c0_i32_2 = arith.constant 0 : i32
    return %c0_i32, %arg0, %c0_i32_0, %c0_i32_1 : i32, i32, i32, i32
  }
  func.func @transform_2(%arg0: i32) -> (i32, i32) {
    %c0_i32 = arith.constant 0 : i32
    %c0_i32_0 = arith.constant 0 : i32
    %c0_i32_1 = arith.constant 0 : i32
    return %c0_i32, %c0_i32_0 : i32, i32
  }
  func.func @transform_3(%arg0: i32) -> (i32, i32) {
    %c0_i32 = arith.constant 0 : i32
    %c0_i32_0 = arith.constant 0 : i32
    return %arg0, %c0_i32 : i32, i32
  }
}

</mosaic_0001>

<sc_bundles>
// kernel: kernel.4.cloned.1.call-start
scs
__scs_entry_jumppad:
0x0: {  	(pc) =	sbr.rel $0x88, $3  }
0x1: {  	(tag) =	ssettag $0x0;
	lr =	simm.s32 $0x1  }
0x2: {  	[smem:$0x3F9D] =	sst lr;
	_ =	strace $0xD0000000  }
0x3: {  	_ = 	snop  }
0x4: {  	_ = 	snop  }
0x5: {  	_ = 	snop  }
0x6: {  	_ = 	snop  }
0x7: {  	_ = 	snop  }
__scs_overlays_trampoline_lowered:
0x8: {  	[smem:$0x3FAC] =	sst s0  }
0x9: {  	[smem:$0x3FAD] =	sst s1  }
0xa: {  	[smem:$0x3FAE] =	sst s2  }
0xb: {  	[smem:$0x3FAF] =	sst s3  }
0xc: {  	[smem:$0x3FB0] =	sst s4  }
0xd: {  	[smem:$0x3FB1] =	sst s5  }
0xe: {  	[smem:$0x3FB2] =	sst s6  }
0xf: {  	[smem:$0x3FB3] =	sst s7  }
0x10: {  	[smem:$0x3FB4] =	sst s8  }
0x11: {  	[smem:$0x3FB5] =	sst s9;
	s0 =	simm.s32 @!p0 $0x0  }
0x12: {  	s1 =	sld [smem:$0x3F9B];
	s0 =	simm.s32 @p0 $0x1  }
0x13: {  	[smem:$0x3FB6] =	sst s0;
	s0 =	simm.s32 @!p1 $0x0  }
0x14: {  	s2 =	sld [smem:$0x3F9A];
	s0 =	simm.s32 @p1 $0x1  }
0x15: {  	[smem:$0x3FB7] =	sst s0;
	s0 =	simm.s32 @!p2 $0x0  }
0x16: {  	s3 =	sld [smem:$0x3FDB];
	s0 =	simm.s32 @p2 $0x1  }
0x17: {  	s4 =	simm.s32 $0x1BF5;
	[smem:$0x3FB9] =	sst s0  }
0x18: {  	s0 =	sld [smem:$0x3F9C];
	_ =	swait.ge [sflag:s4], $0x0  }
0x19: {  	s7 =	sld [smem:$0x3F9D]  }
0x1a: {  	s8 =	sadd.s32 $0xFFFFE003, lr  }
0x1b: {  	s9 =	sadd.s32 $0xFFFFFEF7, lr;
	s5 =	simm.s32 $0xFFFFFFFF;
	p2 =	slt.u32 s8, $0xFFFFF086  }
0x1c: {  	p1 =	slt.u32 s9, $0xF7A;
	s5 =	simm.s32 @!p2 $0x0  }
0x1d: {  	s5 =	simm.s32 @p1 $0x1;
	p0 =	seq.s32 s7, s2  }
0x1e: {  	s7 =	smul.u32 @!p0 $0xF7A, s2;
	p2 =	seq.s32 @!p0 s5, $0x0  }
0x1f: {  	s9 =	smul.u32 $0xF7A, s1;
	s8 =	simm.s32 @!p0 $0x1BF5;
	p2 =	por !p2, p0  }
0x20: {  	[sflag:s8] =	ssyncset.s32 @!p0 $0xFFFFF086;
	s6 =	sadd.s32 @!p0 s3, s7;
	s7 =	simm.s32 @!p0 $0x108  }
0x21: {  	s3 =	sadd.s32 s3, s9;
	s6 =	sadd.s32 @!p0 $0x88, s6;
	s7 =	simm.s32 @p2 $0x1082  }
0x22: {  	[simem:s7], [sflag:s8] =	dma.local @!p0 [hbm:s6], $0xF7A  }
0x23: {  	s9 =	sor.u32 $0xD0000000, s2;
	s6 =	simm.s32 $0x108;
	_ =	swait.ge @!p0 [sflag:s8], $0x0  }
0x24: {  	s3 =	sadd.s32 $0x88, s3;
	s6 =	simm.s32 @!p1 $0x1082;
	[sflag:s4] =	ssyncset.s32 $0xFFFFF086  }
0x25: {  	[simem:s6], [sflag:s4] =	dma.local [hbm:s3], $0xF7A  }
0x26: {  	[smem:$0x3F9D] =	sst s1;
	(tag) =	ssettag s2;
	_ =	strace s9  }
0x27: {  	s1 =	sld [smem:$0x3FAD]  }
0x28: {  	s2 =	sld [smem:$0x3FAE]  }
0x29: {  	s4 =	sld [smem:$0x3FB0]  }
0x2a: {  	p0 =	seq.s32 s5, $0x0;
	s5 =	sld [smem:$0x3FB1]  }
0x2b: {  	s6 =	sld [smem:$0x3FB2]  }
0x2c: {  	s7 =	sld [smem:$0x3FB3]  }
0x2d: {  	s3 =	simm.s32 $0x108;
	s8 =	sld [smem:$0x3FB4]  }
0x2e: {  	s3 =	simm.s32 @!p0 $0x1082;
	s9 =	sld [smem:$0x3FB5]  }
0x2f: {  	lr =	sadd.s32 s0, s3;
	s0 =	sld [smem:$0x3FAC]  }
0x30: {  	s3 =	sld [smem:$0x3FAF]  }
0x31: {  	[smem:$0x3FB8] =	sst s10  }
0x32: {  	s10 =	sld [smem:$0x3FB6];
	_ =	sdelay $0x3  }
0x33: {  	p0 =	seq.s32 s10, $0x1;
	s10 =	sld [smem:$0x3FB8];
	_ =	sdelay $0x3  }
0x34: {  	[smem:$0x3FB8] =	sst s10  }
0x35: {  	s10 =	sld [smem:$0x3FB7];
	_ =	sdelay $0x3  }
0x36: {  	p1 =	seq.s32 s10, $0x1;
	s10 =	sld [smem:$0x3FB8];
	_ =	sdelay $0x3  }
0x37: {  	[smem:$0x3FB8] =	sst s10  }
0x38: {  	s10 =	sld [smem:$0x3FB9]  }
0x39: {  	_ = 	snop;
	(pc) =	sbr.ind lr, $3  }
0x3a: {  	_ = 	snop  }
0x3b: {  	_ = 	snop  }
0x3c: {  	p2 =	seq.s32 s10, $0x1;
	s10 =	sld [smem:$0x3FB8]  }
0x3d: {  	_ =	shalt  }
0x3e: {  	_ =	shalt  }
0x3f: {  	_ =	shalt  }
0x40: {  	_ =	shalt  }
0x41: {  	_ =	shalt  }
0x42: {  	_ =	shalt  }
0x43: {  	_ =	shalt  }
0x44: {  	_ =	shalt  }
0x45: {  	_ =	shalt  }
0x46: {  	_ =	shalt  }
0x47: {  	_ =	shalt  }
0x48: {  	_ =	shalt  }
0x49: {  	_ =	shalt  }
0x4a: {  	_ =	shalt  }
0x4b: {  	_ =	shalt  }
0x4c: {  	_ =	shalt  }
0x4d: {  	_ =	shalt  }
0x4e: {  	_ =	shalt  }
0x4f: {  	_ =	shalt  }
0x50: {  	_ =	shalt  }
0x51: {  	_ =	shalt  }
0x52: {  	_ =	shalt  }
0x53: {  	_ =	shalt  }
0x54: {  	_ =	shalt  }
0x55: {  	_ =	shalt  }
0x56: {  	_ =	shalt  }
0x57: {  	_ =	shalt  }
0x58: {  	_ =	shalt  }
0x59: {  	_ =	shalt  }
0x5a: {  	_ =	shalt  }
0x5b: {  	_ =	shalt  }
0x5c: {  	_ =	shalt  }
0x5d: {  	_ =	shalt  }
0x5e: {  	_ =	shalt  }
0x5f: {  	_ =	shalt  }
0x60: {  	_ =	shalt  }
0x61: {  	_ =	shalt  }
0x62: {  	_ =	shalt  }
0x63: {  	_ =	shalt  }
0x64: {  	_ =	shalt  }
0x65: {  	_ =	shalt  }
0x66: {  	_ =	shalt  }
0x67: {  	_ =	shalt  }
0x68: {  	_ =	shalt  }
0x69: {  	_ =	shalt  }
0x6a: {  	_ =	shalt  }
0x6b: {  	_ =	shalt  }
0x6c: {  	_ =	shalt  }
0x6d: {  	_ =	shalt  }
0x6e: {  	_ =	shalt  }
0x6f: {  	_ =	shalt  }
0x70: {  	_ =	shalt  }
0x71: {  	_ =	shalt  }
0x72: {  	_ =	shalt  }
0x73: {  	_ =	shalt  }
0x74: {  	_ =	shalt  }
0x75: {  	_ =	shalt  }
0x76: {  	_ =	shalt  }
0x77: {  	_ =	shalt  }
0x78: {  	_ =	shalt  }
0x79: {  	_ =	shalt  }
0x7a: {  	_ =	shalt  }
0x7b: {  	_ =	shalt  }
0x7c: {  	_ =	shalt  }
0x7d: {  	_ =	shalt  }
0x7e: {  	_ =	shalt  }
0x7f: {  	_ =	shalt  }
0x80: {  	_ =	shalt  }
0x81: {  	_ =	shalt  }
0x82: {  	_ =	shalt  }
0x83: {  	_ =	shalt  }
0x84: {  	_ =	shalt  }
0x85: {  	_ =	shalt  }
0x86: {  	_ =	shalt  }
0x87: {  	_ =	shalt  }
.Lfunc_end0:
.L_simem_size_0:
called_computation_lowered:
.L_overlay_start_0:
0x88: {  	s2 =	sld [smem:$0x3FD9]  }
0x89: {  	s3 =	sld [smem:$0x3FFE];
	_ =	sdelay $0x1  }
0x8a: {  	s1 =	srdreg.scid  }
0x8b: {  	s0 =	sand.u32 $0x1, s1  }
0x8c: {  	s18 =	sshll.u32 s0, $0xA;
	s2 =	sadd.s32 s3, s2  }
0x8d: {  	s2 =	sadd.s32 s2, s18  }
0x8e: {  	[smem:$0x3FC4] =	sst s2  }
0x8f: {  	_ = 	snop  }
0x90: {  	s2 =	sld [smem:$0x3FC8]  }
0x91: {  	s19 =	sld [smem:$0x3FD0];
	(tm) =	ssettm $0x1  }
0x92: {  	s4 =	sld [smem:$0x3FFB];
	_ =	sdelay $0x3  }
0x93: {  	_ =	strace s4  }
0x94: {  	s4 =	sld [smem:$0x3FFC];
	_ =	sdelay $0x3  }
0x95: {  	_ =	strace s4  }
0x96: {  	s4 =	sld [smem:$0x3FFD];
	_ =	sdelay $0x3  }
0x97: {  	_ =	strace s4  }
0x98: {  	_ =	strace $0x8FFFFFFF  }
0x99: {  	s20 =	sld [smem:$0x3FDB];
	_ =	sdelay $0x1  }
0x9a: {  	s5 =	simm.s32 $_scs_section_size  }
0x9b: {  	s6 =	simm.s32 $_size__tile_overlayer_lowered;
	s7 =	simm.s32 $_tile_overlayer_lowered  }
0x9c: {  	s23 =	simm.s32 $0x1BFF;
	s22 =	sshll.u32 s7, $0x1;
	s4 =	sadd.s32 s5, s20  }
0x9d: {  	s8 =	simm.s32 $0x0;
	s21 =	sshll.u32 s6, $0x1;
	s6 =	sadd.s32 s22, s4  }
0x9e: {  	[timem:s8], [sflag:s23] =	dma.local [hbm:s6], s21  }
0x9f: {  	_ =	swait.ge [sflag:s23], s21  }
0xa0: {  	s5 =	ssub.s32 $0x0, s21;
	[sflag:s23] =	ssyncset.done $0x0  }
0xa1: {  	[sflag:s23] =	ssyncadd.s32 s5;
	_ =	sdelay $0x1  }
0xa2: {  	s24 =	simm.s32 $0x1B8B  }
0xa3: {  	_ =	swait.ge [sflag:s24], $0x1  }
0xa4: {  	[sflag:s24] =	ssyncset.done $0x0  }
0xa5: {  	s25 =	simm.s32 $0x1B8E;
	[sflag:s24] =	ssyncadd.s32 $0xFFFFFFFF  }
0xa6: {  	s26 =	simm.s32 $execute0_lowered;
	[smem:$0x3FD2] =	sst s25  }
0xa7: {  	s5 =	sshll.u32 s26, $0x1;
	_ =	strace $0x80000046;
	[dreg:$0x1] =	wrdreg $0xFFFFFFFF  }
0xa8: {  	s28 =	simm.s32 $_size_execute0_lowered;
	s4 =	sadd.s32 s4, s5;
	[dreg:$0x0] =	wrdreg $0x0  }
0xa9: {  	s5 =	sshll.u32 s28, $0x1;
	[dreg:$0x2] =	wrdreg s4  }
0xaa: {  	[dreg:$0x3] =	wrdreg s5  }
0xab: {  	[dreg:$0x4] =	wrdreg $0xC0  }
0xac: {  	_ =	task [dreg:s8], $0x5FFFF  }
0xad: {  	[dreg:$0x1] =	wrdreg $0xFFFFFFFF  }
0xae: {  	[dreg:$0x0] =	wrdreg $0x60  }
0xaf: {  	[dreg:$0x2] =	wrdreg s2  }
0xb0: {  	[dreg:$0x3] =	wrdreg s19  }
0xb1: {  	[dreg:$0x4] =	wrdreg $0xA3000  }
0xb2: {  	[dreg:$0x5] =	wrdreg $0x9  }
0xb3: {  	_ =	task.clear_ibuf [dreg:s8], $0x6FFFF;
	_ =	strace $0x90000046  }
0xb4: {  	s29 =	simm.s32 $0x9;
	_ =	strace $0x80000048  }
0xb5: {  	_ =	swait.ge [sflag:s29], $0x1  }
0xb6: {  	[sflag:s29] =	ssyncadd.s32 $0xFFFFFFFF  }
0xb7: {  	_ =	strace $0x90000048  }
0xb8: {  	_ =	sfence  }
0xb9: {  	s30 =	sld [smem:$0x0];
	_ =	sdelay $0x2  }
0xba: {  	s31 =	sshll.u32 s1, $0xD;
	s1 =	sshrl.u32 s1, $0x2  }
0xbb: {  	s3 =	sand.u32 $0x4000, s31;
	s1 =	sadd.s32 s1, s30  }
0xbc: {  	s0 =	sor.u32 s3, s0;
	s1 =	sshll.u32 s1, $0x11  }
0xbd: {  	s0 =	sor.u32 s1, s0  }
0xbe: {  	s0 =	sadd.s32 $0x8F2B, s0  }
0xbf: {  	[sflag:s0] =	ssyncadd.remote.s32 $0x1  }
0xc0: {  	_ =	sfence.sel $0xFFFF  }
0xc1: {  	[dreg:$0x0] =	wrdreg $0xFFFFFFFF;
	(pc) =	sbr.abs _section_cstart, $3  }
0xc2: {  	[dreg:$0x1] =	wrdreg $0xFFFFFFFF  }
0xc3: {  	_ =	task.clear_ibuf [dreg:s8], $0x2FFFF;
	_ =	strace $0x9FFFFFFF  }
0xc4: {  	(tm) =	ssettm $0x7FFFFFFF  }
0xc5: {  	_ =	shalt  }
tec
execute0_lowered:
.L_overlay_start_1:
0x0: {  	(tag) =	ssettag $0x1  }
0x1: {  	s5 =	rddreg [dreg:$0x0]  }
0x2: {  	s7 =	rddreg [dreg:$0x1]  }
0x3: {  	s1 =	rddreg [dreg:$0x2]  }
0x4: {  	s0 =	rddreg [dreg:$0x3]  }
0x5: {  	s2 =	simm.s32 $0x0;
	s3 =	srdreg.scid;
	s9 =	stileid.u32  }
0x6: {  	[smem:$0x7FF] =	sst s2;
	s4 =	smul.u32 $0xA00, s9  }
0x7: {  	s6 =	sand.u32 $0x1, s3;
	s10 =	smul.u32 $0x9C00, s9;
	s11 =	sshrl.u32 s9, $0x3  }
0x8: {  	s14 =	sand.u32 $0x7, s9;
	p0 =	sne.s32 s9, $0x0;
	s12 =	smul.u32 $0x4E20, s11  }
0x9: {  	s9 =	simm.s32 $0x9E00;
	_ =	strace $0x80000047;
	s29 =	smul.u32 $0x2800, s6  }
0xa: {  	s3 =	ssub.s32 $0x2, s6;
	s28 =	sshll.u32 s6, $0x7;
	s11 =	smul.u32 $0x1400, s11  }
0xb: {  	s30 =	smul.u32 $0x280, s14;
	s6 =	sshll.u32 s6, $0x4;
	s8 =	sshrl.u32 s3, $0x1  }
0xc: {  	s14 =	simm.s32 $0x0;
	s4 =	sshrl.u32 s4, $0x2;
	s8 =	ssub.s32 s3, s8  }
0xd: {  	s3 =	sor.u32 s28, s10;
	s12 =	sshrl.u32 s12, $0x2;
	s10 =	sadd.s32 s29, s11  }
0xe: {  	s11 =	simm.s32 $0x80;
	s13 =	sshrl.u32 s3, $0x3;
	s3 =	sadd.s32 s4, s1  }
0xf: {  	s31 =	sadd.s32 s12, s1;
	s10 =	sadd.s32 s30, s10;
	s8 =	smax.u32 s8, $0x1  }
0x10: {  	s12 =	simm.s32 $0x100;
	s4 =	sadd.s32 s5, s13;
	s5 =	sadd.s32 s6, s5  }
0x11: {  	s6 =	sadd.s32 s30, s31;
	s10 =	sshrl.u32 s10, $0x3;
	s13 =	simm.s32 $0xA080  }
0x12: {  	v0 =	vimm.s32 $0x1;
	v1 =	vimm.s32 $0x0;
	s5 =	sadd.s32 $0x13800, s5;
	s7 =	sadd.s32 s7, s10;
	s10 =	simm.s32 $0x1  }
.LBB2_1:
0x13: {  	s15 =	simm.s32 $0x0;
	s16 =	simm.s32 $0x200  }
.LBB2_2:
0x14: {  	p1 =	sne.s32 s16, $0x13600;
	[tilespmem:s15+$0x5070] =	vst v0  }
0x15: {  	[tilespmem:s15+$0x5000] =	vst v0  }
0x16: {  	[tilespmem:s15+$0x5010] =	vst v0  }
.Ltmp0:
0x17: {  	[tilespmem:s15+$0x5020] =	vst v0;
	(pc) =	sbr.rel @p1 .LBB2_2-.Ltmp0, $4  }
0x18: {  	[tilespmem:s15+$0x5030] =	vst v0  }
0x19: {  	[tilespmem:s15+$0x5040] =	vst v0  }
0x1a: {  	[tilespmem:s15+$0x5050] =	vst v0  }
0x1b: {  	[tilespmem:s15+$0x5060] =	vst v0;
	s15 =	sshra.s32 s16, $0x2;
	s16 =	sadd.s32 $0x200, s16  }
0x1c: {  	[tilespmem:s15+$0x5070] =	vst v0  }
0x1d: {  	[tilespmem:s15+$0x5000] =	vst v0  }
0x1e: {  	[tilespmem:s15+$0x5010] =	vst v0  }
0x1f: {  	[tilespmem:s15+$0x5020] =	vst v0  }
0x20: {  	[tilespmem:s15+$0x5030] =	vst v0  }
0x21: {  	[tilespmem:s15+$0x5040] =	vst v0  }
0x22: {  	[tilespmem:s15+$0x5050] =	vst v0  }
0x23: {  	[tilespmem:s15+$0x5060] =	vst v0  }
0x24: {  	[tilespmem:$0x9E00] =	vst v1  }
0x25: {  	[tilespmem:$0x9E10] =	vst v1  }
0x26: {  	[tilespmem:$0x9E20] =	vst v1  }
0x27: {  	[tilespmem:$0x9E30] =	vst v1  }
0x28: {  	[tilespmem:$0x9E40] =	vst v1  }
0x29: {  	[tilespmem:$0x9E50] =	vst v1  }
0x2a: {  	[tilespmem:$0x9E60] =	vst v1  }
0x2b: {  	[tilespmem:$0x9E70] =	vst v1  }
0x2c: {  	[tilespmem:$0x9E80] =	vst v1  }
0x2d: {  	[tilespmem:$0x9E90] =	vst v1  }
0x2e: {  	[tilespmem:$0x9EA0] =	vst v1  }
0x2f: {  	[tilespmem:$0x9EB0] =	vst v1  }
0x30: {  	[tilespmem:$0x9EC0] =	vst v1  }
0x31: {  	[tilespmem:$0x9ED0] =	vst v1  }
0x32: {  	[tilespmem:$0x9EE0] =	vst v1  }
0x33: {  	[tilespmem:$0x9EF0] =	vst v1  }
0x34: {  	[tilespmem:$0x9F00] =	vst v1  }
0x35: {  	[tilespmem:$0x9F10] =	vst v1  }
0x36: {  	[tilespmem:$0x9F20] =	vst v1  }
0x37: {  	[tilespmem:$0x9F30] =	vst v1  }
0x38: {  	[tilespmem:$0x9F40] =	vst v1  }
0x39: {  	[tilespmem:$0x9F50] =	vst v1  }
0x3a: {  	[tilespmem:$0x9F60] =	vst v1  }
0x3b: {  	[tilespmem:$0x9F70] =	vst v1  }
0x3c: {  	[tilespmem:$0x9F80] =	vst v1  }
0x3d: {  	[tilespmem:$0x9F90] =	vst v1  }
0x3e: {  	[tilespmem:$0x9FA0] =	vst v1  }
0x3f: {  	[tilespmem:$0x9FB0] =	vst v1  }
0x40: {  	[tilespmem:$0x9FC0] =	vst v1  }
0x41: {  	[tilespmem:$0x9FD0] =	vst v1  }
0x42: {  	[tilespmem:$0x9FE0] =	vst v1  }
0x43: {  	[tilespmem:$0x9FF0] =	vst v1  }
0x44: {  	[tilespmem:$0xA000] =	vst v1  }
0x45: {  	[tilespmem:$0xA010] =	vst v1  }
0x46: {  	[tilespmem:$0xA020] =	vst v1  }
0x47: {  	[tilespmem:$0xA030] =	vst v1  }
0x48: {  	[tilespmem:$0xA040] =	vst v1  }
0x49: {  	[tilespmem:$0xA050] =	vst v1  }
0x4a: {  	[tilespmem:$0xA060] =	vst v1  }
0x4b: {  	[tilespmem:$0xA070] =	vst v1  }
0x4c: {  	[spmem:s3] =	stream.linear.scatter [tilespmem:s9], [sflag:$0x1], $0x280, $0x38;
	[tilespmem:$0xA580] =	vst v63  }
0x4d: {  	_ =	swait.ge [sflag:s10], $0x280  }
0x4e: {  	[sflag:s10] =	ssyncset.done $0x0  }
0x4f: {  	[sflag:s10] =	ssyncadd.s32 $0xFFFFFD80  }
0x50: {  	[tilespmem:s2], [sflag:$0x1] =	stream.strided.gather [hbm4b:s4+s11], $0x4E00, s12, s11, $0x38;
	[tilespmem:$0xA580] =	vst v63  }
0x51: {  	_ =	swait.ge [sflag:s10], $0x4E00  }
0x52: {  	[sflag:s10] =	ssyncset.done $0x0  }
0x53: {  	s15 =	simm.s32 @p0 $0x4E00;
	[sflag:s10] =	ssyncadd.s32 $0xFFFFB200  }
0x54: {  	s16 =	simm.s32 @p0 $0x0;
	s17 =	simm.s32 @p0 $0x5000;
	[bflag:$0x0] =	sbarrier.arrive @p0 $0xFFFF  }
0x55: {  	[spmem:s1] =	stream.indirect.scatter.add.s32 @p0 [tilespmem:s17], [sflag:$0x1], $0x1, s16, s15, $0xb8;
	[tilespmem:$0xA580] =	vst v63  }
0x56: {  	s15 =	simm.s32 @p0 $0x1  }
0x57: {  	_ =	swait.ge @p0 [sflag:s15], $0x4E00  }
0x58: {  	s16 =	simm.s32 @!p0 $0x100;
	[sflag:s15] =	ssyncset.done @p0 $0x0  }
0x59: {  	s17 =	simm.s32 @!p0 $0x4E00;
	[sflag:s15] =	ssyncadd.s32 @p0 $0xFFFFB200;
	s15 =	simm.s32 @!p0 $0x80  }
0x5a: {  	[tilespmem:s17], [sflag:$0x1] =	stream.strided.gather @!p0 [hbm4b:s5+s15], $0x200, s16, s15, $0x38;
	[tilespmem:$0xA580] =	vst v63  }
0x5b: {  	s15 =	simm.s32 @!p0 $0x1  }
0x5c: {  	_ =	swait.ge @!p0 [sflag:s15], $0x200  }
0x5d: {  	[sflag:s15] =	ssyncset.done @!p0 $0x0  }
0x5e: {  	[sflag:s15] =	ssyncadd.s32 @!p0 $0xFFFFFE00  }
0x5f: {  	s18 =	simm.s32 @!p0 $0x5000;
	s16 =	simm.s32 @!p0 $0x0;
	[bflag:$0x0] =	sbarrier.arrive @!p0 $0xFFFF  }
0x60: {  	[spmem:s1] =	stream.indirect.scatter.add.s32 @!p0 [tilespmem:s18], [sflag:$0x1], $0x1, s16, s17, $0xb8;
	[tilespmem:$0xA580] =	vst v63  }
0x61: {  	_ =	swait.ge @!p0 [sflag:s15], $0x4E00  }
0x62: {  	[sflag:s15] =	ssyncset.done @!p0 $0x0  }
0x63: {  	s16 =	simm.s32 @!p0 $0x200;
	[sflag:s15] =	ssyncadd.s32 @!p0 $0xFFFFB200  }
0x64: {  	[spmem:s1] =	stream.indirect.scatter.add.s32 @!p0 [tilespmem:s18], [sflag:$0x1], $0x1, s17, s16, $0xb8;
	[tilespmem:$0xA580] =	vst v63  }
0x65: {  	_ =	swait.ge @!p0 [sflag:s15], $0x200  }
0x66: {  	[sflag:s15] =	ssyncset.done @!p0 $0x0  }
0x67: {  	[sflag:s15] =	ssyncadd.s32 @!p0 $0xFFFFFE00  }
0x68: {  	[bflag:$0x0] =	sbarrier.arrive $0xFFFF  }
0x69: {  	[tilespmem:s13], [sflag:$0x1] =	stream.linear.gather [spmem:s6], $0x280, $0x38;
	[tilespmem:$0xA580] =	vst v63  }
0x6a: {  	s14 =	sadd.s32 $0x1, s14;
	_ =	swait.ge [sflag:s10], $0x280  }
0x6b: {  	p1 =	sne.s32 s14, s8;
	[sflag:s10] =	ssyncset.done $0x0  }
.Ltmp1:
0x6c: {  	[sflag:s10] =	ssyncadd.s32 $0xFFFFFD80;
	(pc) =	sbr.rel @p1 .LBB2_1-.Ltmp1, $4  }
0x6d: {  	[hbm4b:s7+s2] =	stream.linear.scatter [tilespmem:s13], [sflag:$0x1], $0x280, $0x38;
	[tilespmem:$0xA580] =	vst v63  }
0x6e: {  	_ =	swait.ge [sflag:s10], $0x280  }
0x6f: {  	[sflag:s10] =	ssyncset.done $0x0  }
0x70: {  	[sflag:s10] =	ssyncadd.s32 $0xFFFFFD80  }
0x71: {  	_ =	sfence.sel $0x180000  }
0x72: {  	[bflag:$0x0] =	sbarrier.arrive $0xFFFF  }
0x73: {  	_ =	strace $0x90000047  }
0x74: {  	s0 =	sadd.s32 @!p0 $0x100000, s0;
	[bflag:$0x2] =	sbarrier.arrive $0xFFFF  }
0x75: {  	[sflag:s0] =	ssyncadd.tile.s32 @!p0 $0x1;
	_ =	shalt  }
.Lfunc_end2:
_tile_overlayer_lowered:
.L_overlay_start_2:
0x76: {  	(tag) =	ssettag $0x2  }
0x77: {  	s0 =	rddreg [dreg:$0x0];
	s2 =	stileid.u32  }
0x78: {  	s1 =	rddreg [dreg:$0x1];
	p0 =	sne.s32 s2, $0x0  }
0x79: {  	s3 =	rddreg [dreg:$0x2];
	[bflag:$0x3] =	sbarrier.arrive $0xFFFF;
	s2 =	simm.s32 @!p0 $0x1C01  }
0x7a: {  	[timem:s3], [sflag:s2] =	dma.local @!p0 [hbm:s0], s1  }
0x7b: {  	s0 =	simm.s32 @!p0 $0x1  }
0x7c: {  	_ =	swait.ge @!p0 [sflag:s0], s1  }
0x7d: {  	s1 =	ssub.s32 @!p0 $0x0, s1;
	[sflag:s0] =	ssyncset.done @!p0 $0x0  }
0x7e: {  	[sflag:s0] =	ssyncadd.s32 @!p0 s1  }
0x7f: {  	[bflag:$0x3] =	sbarrier.arrive $0xFFFF  }
0x80: {  	_ =	shalt  }

</sc_bundles>
